<compile_context>
chip_gen: v7x
topology: tpu7x:2x2x1
jax: 0.10.2.dev20260603
libtpu: 0.0.44.dev20260713+nightly
codegen_flags: <defaults>
</compile_context>

<pallas_src>
import functools

import jax
import jax.numpy as jnp
from jax import lax
from jax.experimental import pallas as pl
from jax.experimental.pallas import tpu as pltpu
from jax.experimental.pallas import tpu_sc as plsc

NUM_CLASSES = 1000000
HIDDEN_SIZE = 64
BATCH = 16384
TABLE_ROWS = NUM_CLASSES + 1

_NC = 2
_NS = 16
_NW = _NC * _NS
_B_PER_W = BATCH // _NW
_UNROLL = 16


def _make_gather():
    mesh = plsc.VectorSubcoreMesh(core_axis_name="c", subcore_axis_name="s")

    @functools.partial(
        pl.kernel,
        mesh=mesh,
        out_type=jax.ShapeDtypeStruct((BATCH, HIDDEN_SIZE), jnp.float32),
        compiler_params=pltpu.CompilerParams(use_tc_tiling_on_sc=True),
        scratch_types=[
            pltpu.VMEM((_B_PER_W,), jnp.int32),
            pltpu.SemaphoreType.DMA,
            pltpu.SemaphoreType.DMA,
            pltpu.SemaphoreType.DMA,
            pltpu.SemaphoreType.DMA,
        ],
    )
    def gather_kernel(table_hbm, lab_hbm, out_hbm, lab_v, s0, s1, s2, s3):
        sems = (s0, s1, s2, s3)
        wid = lax.axis_index("s") * _NC + lax.axis_index("c")
        base = wid * _B_PER_W
        pltpu.sync_copy(lab_hbm.at[pl.ds(base, _B_PER_W)], lab_v)

        @pl.loop(0, _B_PER_W // _UNROLL)
        def _blk(b):
            i0 = b * _UNROLL
            lv = lab_v[pl.ds(i0, _UNROLL)]
            for t in range(_UNROLL):
                pltpu.async_copy(
                    table_hbm.at[pl.ds(lv[t], 1)],
                    out_hbm.at[pl.ds(base + i0 + t, 1)],
                    sems[t % 4],
                )

        for q in range(4):
            pltpu.make_async_copy(
                out_hbm.at[pl.ds(base + q * (_B_PER_W // 4), _B_PER_W // 4)],
                out_hbm.at[pl.ds(base + q * (_B_PER_W // 4), _B_PER_W // 4)],
                sems[q],
            ).wait()

    return gather_kernel


_gather = _make_gather()


def kernel(labels, embedding_table):
    return _gather(embedding_table, labels.astype(jnp.int32))

# --- scband reference (transcript-rebuilt; emitter-appended) ---
"""Pipeline reference for scband-class-embedder-89635967467743 (READ-ONLY COPY).

The authoritative reference and input builder live on the scoring server;
editing this copy changes nothing except your own understanding.
"""

import jax, jax.numpy as jnp
import numpy as np

NUM_CLASSES = 1000000
HIDDEN_SIZE = 64
BATCH = 16384
# dropout_prob > 0.0 -> table has one extra null-class row
TABLE_ROWS = NUM_CLASSES + 1


def setup_inputs(seed: int = 0) -> dict:
    key = jax.random.key(seed)
    k_lab, k_tab = jax.random.split(key)
    labels = jax.random.randint(k_lab, (BATCH,), 0, NUM_CLASSES, dtype=jnp.int64 if jax.config.jax_enable_x64 else jnp.int32)
    embedding_table = jax.random.normal(k_tab, (TABLE_ROWS, HIDDEN_SIZE), dtype=jnp.float32) * 0.02
    return {"labels": labels, "embedding_table": embedding_table}


def reference(labels, embedding_table):
    # token_drop: with deterministic=False (default) and this code path, labels
    # are returned unchanged (the `if not deterministic or dropout_prob == 0.0`
    # branch triggers), so forward is a pure embedding lookup.
    return jnp.take(embedding_table, labels, axis=0)

if __name__ == "__main__":
    import jax
    _d = setup_inputs()
    print(jax.jit(kernel)(*tuple(_d.values())))

</pallas_src>

<mosaic_0001>
#map = affine_map<(d0, d1) -> (0, 0)>
#map1 = affine_map<(d0, d1) -> (0)>
module attributes {stable_mosaic.version = 14 : i64} {
  func.func @gather_kernel(%arg0: i32, %arg1: i32, %arg2: memref<1000001x64xf32, #tpu.memory_space<hbm>>, %arg3: memref<16384xi32, #tpu.memory_space<hbm>>, %arg4: memref<16384x64xf32, #tpu.memory_space<hbm>>, %arg5: memref<512xi32, #tpu.memory_space<vmem>>, %arg6: memref<!tpu.dma_semaphore, #tpu.memory_space<semaphore_mem>>, %arg7: memref<!tpu.dma_semaphore, #tpu.memory_space<semaphore_mem>>, %arg8: memref<!tpu.dma_semaphore, #tpu.memory_space<semaphore_mem>>, %arg9: memref<!tpu.dma_semaphore, #tpu.memory_space<semaphore_mem>>) attributes {dimension_semantics = [#tpu.dimension_semantics<core_parallel>, #tpu.dimension_semantics<subcore_parallel>], iteration_bounds = array<i64: 2, 16>, scalar_prefetch = 0 : i64, scratch_operands = 5 : i64, tpu.core_type = #tpu.core_type<sc_vector_subcore>, window_params = [{transform_indices = #map}, {transform_indices = #map1}, {transform_indices = #map}]} {
    %mul3A = arith.constant 2 : i32
    %mul3A_0 = arith.muli %arg1, %mul3A : i32
    %add3A = arith.addi %mul3A_0, %arg0 : i32
    %mul3A_1 = arith.constant 512 : i32
    %mul3A_2 = arith.muli %add3A, %mul3A_1 : i32
    "tpu.region"() ({
      %run_scoped3A = tpu.sem_alloc : memref<!tpu.dma_semaphore, #tpu.memory_space<semaphore_mem>>
      %dma_start3A = tpu.memref_slice %arg3[%mul3A_2] : memref<16384xi32, #tpu.memory_space<hbm>> -> memref<512xi32, #tpu.memory_space<hbm>>
      %dma_start3A_38 = tpu.memref_slice %arg3[%mul3A_2] : memref<16384xi32, #tpu.memory_space<hbm>> -> memref<512xi32, #tpu.memory_space<hbm>>
      tpu.enqueue_dma source(%dma_start3A_38 : memref<512xi32, #tpu.memory_space<hbm>>) target(%arg5 : memref<512xi32, #tpu.memory_space<vmem>>) target_semaphore(%run_scoped3A : memref<!tpu.dma_semaphore, #tpu.memory_space<semaphore_mem>>)
      %dma_wait3A_39 = tpu.memref_slice %arg3[%mul3A_2] : memref<16384xi32, #tpu.memory_space<hbm>> -> memref<512xi32, #tpu.memory_space<hbm>>
      %dma_wait3A_40 = tpu.memref_slice %arg3[%mul3A_2] : memref<16384xi32, #tpu.memory_space<hbm>> -> memref<512xi32, #tpu.memory_space<hbm>>
      tpu.wait_dma2 semaphore(%run_scoped3A : memref<!tpu.dma_semaphore, #tpu.memory_space<semaphore_mem>>) src(%dma_wait3A_40 : memref<512xi32, #tpu.memory_space<hbm>>) dst(%arg5 : memref<512xi32, #tpu.memory_space<vmem>>)
      tpu.yield
    }) : () -> ()
    %scan3A = arith.constant 0 : i32
    %scan3A_3 = arith.constant 32 : i32
    %scan3A_4 = arith.addi %scan3A, %scan3A_3 : i32
    %scan3A_5 = arith.constant 1 : i32
    scf.for %scan3A_38 = %scan3A to %scan3A_4 step %scan3A_5  : i32 {
      %mul3A_39 = arith.constant 1 : i32
      %mul3A_40 = arith.muli %scan3A_38, %mul3A_39 : i32
      %add3A_41 = arith.constant 0 : i32
      %add3A_42 = arith.addi %add3A_41, %mul3A_40 : i32
      %mul3A_43 = arith.constant 16 : i32
      %mul3A_44 = arith.muli %add3A_42, %mul3A_43 : i32
      %get3A = arith.index_cast %mul3A_44 : i32 to index
      %get3A_45 = tpu.vector_load %arg5[%get3A] {strides = array<i32>} : memref<512xi32, #tpu.memory_space<vmem>>, vector<16xi32>,
      %get3A_46 = vector.shape_cast %get3A_45 : vector<16xi32> to vector<16xi32>
      %slice3A = vector.extract_strided_slice %get3A_46 {offsets = [0], sizes = [1], strides = [1]} : vector<16xi32> to vector<1xi32>
      %squeeze3A = vector.extract %slice3A[0] : i32 from vector<1xi32>
      %add3A_47 = arith.addi %mul3A_2, %mul3A_44 : i32
      %add3A_48 = arith.constant 0 : i32
      %add3A_49 = arith.addi %add3A_47, %add3A_48 : i32
      %dma_start3A = arith.constant 0 : i32
      %dma_start3A_50 = tpu.memref_slice %arg4[%add3A_49, %dma_start3A] : memref<16384x64xf32, #tpu.memory_space<hbm>> -> memref<1x64xf32, #tpu.memory_space<hbm>>
      %dma_start3A_51 = arith.constant 0 : i32
      %dma_start3A_52 = tpu.memref_slice %arg2[%squeeze3A, %dma_start3A_51] : memref<1000001x64xf32, #tpu.memory_space<hbm>> -> memref<1x64xf32, #tpu.memory_space<hbm>>
      tpu.enqueue_dma source(%dma_start3A_52 : memref<1x64xf32, #tpu.memory_space<hbm>>) target(%dma_start3A_50 : memref<1x64xf32, #tpu.memory_space<hbm>>) target_semaphore(%arg6 : memref<!tpu.dma_semaphore, #tpu.memory_space<semaphore_mem>>)
      %slice3A_53 = vector.extract_strided_slice %get3A_46 {offsets = [1], sizes = [1], strides = [1]} : vector<16xi32> to vector<1xi32>
      %squeeze3A_54 = vector.extract %slice3A_53[0] : i32 from vector<1xi32>
      %add3A_55 = arith.addi %mul3A_2, %mul3A_44 : i32
      %add3A_56 = arith.constant 1 : i32
      %add3A_57 = arith.addi %add3A_55, %add3A_56 : i32
      %dma_start3A_58 = arith.constant 0 : i32
      %dma_start3A_59 = tpu.memref_slice %arg4[%add3A_57, %dma_start3A_58] : memref<16384x64xf32, #tpu.memory_space<hbm>> -> memref<1x64xf32, #tpu.memory_space<hbm>>
      %dma_start3A_60 = arith.constant 0 : i32
      %dma_start3A_61 = tpu.memref_slice %arg2[%squeeze3A_54, %dma_start3A_60] : memref<1000001x64xf32, #tpu.memory_space<hbm>> -> memref<1x64xf32, #tpu.memory_space<hbm>>
      tpu.enqueue_dma source(%dma_start3A_61 : memref<1x64xf32, #tpu.memory_space<hbm>>) target(%dma_start3A_59 : memref<1x64xf32, #tpu.memory_space<hbm>>) target_semaphore(%arg7 : memref<!tpu.dma_semaphore, #tpu.memory_space<semaphore_mem>>)
      %slice3A_62 = vector.extract_strided_slice %get3A_46 {offsets = [2], sizes = [1], strides = [1]} : vector<16xi32> to vector<1xi32>
      %squeeze3A_63 = vector.extract %slice3A_62[0] : i32 from vector<1xi32>
      %add3A_64 = arith.addi %mul3A_2, %mul3A_44 : i32
      %add3A_65 = arith.constant 2 : i32
      %add3A_66 = arith.addi %add3A_64, %add3A_65 : i32
      %dma_start3A_67 = arith.constant 0 : i32
      %dma_start3A_68 = tpu.memref_slice %arg4[%add3A_66, %dma_start3A_67] : memref<16384x64xf32, #tpu.memory_space<hbm>> -> memref<1x64xf32, #tpu.memory_space<hbm>>
      %dma_start3A_69 = arith.constant 0 : i32
      %dma_start3A_70 = tpu.memref_slice %arg2[%squeeze3A_63, %dma_start3A_69] : memref<1000001x64xf32, #tpu.memory_space<hbm>> -> memref<1x64xf32, #tpu.memory_space<hbm>>
      tpu.enqueue_dma source(%dma_start3A_70 : memref<1x64xf32, #tpu.memory_space<hbm>>) target(%dma_start3A_68 : memref<1x64xf32, #tpu.memory_space<hbm>>) target_semaphore(%arg8 : memref<!tpu.dma_semaphore, #tpu.memory_space<semaphore_mem>>)
      %slice3A_71 = vector.extract_strided_slice %get3A_46 {offsets = [3], sizes = [1], strides = [1]} : vector<16xi32> to vector<1xi32>
      %squeeze3A_72 = vector.extract %slice3A_71[0] : i32 from vector<1xi32>
      %add3A_73 = arith.addi %mul3A_2, %mul3A_44 : i32
      %add3A_74 = arith.constant 3 : i32
      %add3A_75 = arith.addi %add3A_73, %add3A_74 : i32
      %dma_start3A_76 = arith.constant 0 : i32
      %dma_start3A_77 = tpu.memref_slice %arg4[%add3A_75, %dma_start3A_76] : memref<16384x64xf32, #tpu.memory_space<hbm>> -> memref<1x64xf32, #tpu.memory_space<hbm>>
      %dma_start3A_78 = arith.constant 0 : i32
      %dma_start3A_79 = tpu.memref_slice %arg2[%squeeze3A_72, %dma_start3A_78] : memref<1000001x64xf32, #tpu.memory_space<hbm>> -> memref<1x64xf32, #tpu.memory_space<hbm>>
      tpu.enqueue_dma source(%dma_start3A_79 : memref<1x64xf32, #tpu.memory_space<hbm>>) target(%dma_start3A_77 : memref<1x64xf32, #tpu.memory_space<hbm>>) target_semaphore(%arg9 : memref<!tpu.dma_semaphore, #tpu.memory_space<semaphore_mem>>)
      %slice3A_80 = vector.extract_strided_slice %get3A_46 {offsets = [4], sizes = [1], strides = [1]} : vector<16xi32> to vector<1xi32>
      %squeeze3A_81 = vector.extract %slice3A_80[0] : i32 from vector<1xi32>
      %add3A_82 = arith.addi %mul3A_2, %mul3A_44 : i32
      %add3A_83 = arith.constant 4 : i32
      %add3A_84 = arith.addi %add3A_82, %add3A_83 : i32
      %dma_start3A_85 = arith.constant 0 : i32
      %dma_start3A_86 = tpu.memref_slice %arg4[%add3A_84, %dma_start3A_85] : memref<16384x64xf32, #tpu.memory_space<hbm>> -> memref<1x64xf32, #tpu.memory_space<hbm>>
      %dma_start3A_87 = arith.constant 0 : i32
      %dma_start3A_88 = tpu.memref_slice %arg2[%squeeze3A_81, %dma_start3A_87] : memref<1000001x64xf32, #tpu.memory_space<hbm>> -> memref<1x64xf32, #tpu.memory_space<hbm>>
      tpu.enqueue_dma source(%dma_start3A_88 : memref<1x64xf32, #tpu.memory_space<hbm>>) target(%dma_start3A_86 : memref<1x64xf32, #tpu.memory_space<hbm>>) target_semaphore(%arg6 : memref<!tpu.dma_semaphore, #tpu.memory_space<semaphore_mem>>)
      %slice3A_89 = vector.extract_strided_slice %get3A_46 {offsets = [5], sizes = [1], strides = [1]} : vector<16xi32> to vector<1xi32>
      %squeeze3A_90 = vector.extract %slice3A_89[0] : i32 from vector<1xi32>
      %add3A_91 = arith.addi %mul3A_2, %mul3A_44 : i32
      %add3A_92 = arith.constant 5 : i32
      %add3A_93 = arith.addi %add3A_91, %add3A_92 : i32
      %dma_start3A_94 = arith.constant 0 : i32
      %dma_start3A_95 = tpu.memref_slice %arg4[%add3A_93, %dma_start3A_94] : memref<16384x64xf32, #tpu.memory_space<hbm>> -> memref<1x64xf32, #tpu.memory_space<hbm>>
      %dma_start3A_96 = arith.constant 0 : i32
      %dma_start3A_97 = tpu.memref_slice %arg2[%squeeze3A_90, %dma_start3A_96] : memref<1000001x64xf32, #tpu.memory_space<hbm>> -> memref<1x64xf32, #tpu.memory_space<hbm>>
      tpu.enqueue_dma source(%dma_start3A_97 : memref<1x64xf32, #tpu.memory_space<hbm>>) target(%dma_start3A_95 : memref<1x64xf32, #tpu.memory_space<hbm>>) target_semaphore(%arg7 : memref<!tpu.dma_semaphore, #tpu.memory_space<semaphore_mem>>)
      %slice3A_98 = vector.extract_strided_slice %get3A_46 {offsets = [6], sizes = [1], strides = [1]} : vector<16xi32> to vector<1xi32>
      %squeeze3A_99 = vector.extract %slice3A_98[0] : i32 from vector<1xi32>
      %add3A_100 = arith.addi %mul3A_2, %mul3A_44 : i32
      %add3A_101 = arith.constant 6 : i32
      %add3A_102 = arith.addi %add3A_100, %add3A_101 : i32
      %dma_start3A_103 = arith.constant 0 : i32
      %dma_start3A_104 = tpu.memref_slice %arg4[%add3A_102, %dma_start3A_103] : memref<16384x64xf32, #tpu.memory_space<hbm>> -> memref<1x64xf32, #tpu.memory_space<hbm>>
      %dma_start3A_105 = arith.constant 0 : i32
      %dma_start3A_106 = tpu.memref_slice %arg2[%squeeze3A_99, %dma_start3A_105] : memref<1000001x64xf32, #tpu.memory_space<hbm>> -> memref<1x64xf32, #tpu.memory_space<hbm>>
      tpu.enqueue_dma source(%dma_start3A_106 : memref<1x64xf32, #tpu.memory_space<hbm>>) target(%dma_start3A_104 : memref<1x64xf32, #tpu.memory_space<hbm>>) target_semaphore(%arg8 : memref<!tpu.dma_semaphore, #tpu.memory_space<semaphore_mem>>)
      %slice3A_107 = vector.extract_strided_slice %get3A_46 {offsets = [7], sizes = [1], strides = [1]} : vector<16xi32> to vector<1xi32>
      %squeeze3A_108 = vector.extract %slice3A_107[0] : i32 from vector<1xi32>
      %add3A_109 = arith.addi %mul3A_2, %mul3A_44 : i32
      %add3A_110 = arith.constant 7 : i32
      %add3A_111 = arith.addi %add3A_109, %add3A_110 : i32
      %dma_start3A_112 = arith.constant 0 : i32
      %dma_start3A_113 = tpu.memref_slice %arg4[%add3A_111, %dma_start3A_112] : memref<16384x64xf32, #tpu.memory_space<hbm>> -> memref<1x64xf32, #tpu.memory_space<hbm>>
      %dma_start3A_114 = arith.constant 0 : i32
      %dma_start3A_115 = tpu.memref_slice %arg2[%squeeze3A_108, %dma_start3A_114] : memref<1000001x64xf32, #tpu.memory_space<hbm>> -> memref<1x64xf32, #tpu.memory_space<hbm>>
      tpu.enqueue_dma source(%dma_start3A_115 : memref<1x64xf32, #tpu.memory_space<hbm>>) target(%dma_start3A_113 : memref<1x64xf32, #tpu.memory_space<hbm>>) target_semaphore(%arg9 : memref<!tpu.dma_semaphore, #tpu.memory_space<semaphore_mem>>)
      %slice3A_116 = vector.extract_strided_slice %get3A_46 {offsets = [8], sizes = [1], strides = [1]} : vector<16xi32> to vector<1xi32>
      %squeeze3A_117 = vector.extract %slice3A_116[0] : i32 from vector<1xi32>
      %add3A_118 = arith.addi %mul3A_2, %mul3A_44 : i32
      %add3A_119 = arith.constant 8 : i32
      %add3A_120 = arith.addi %add3A_118, %add3A_119 : i32
      %dma_start3A_121 = arith.constant 0 : i32
      %dma_start3A_122 = tpu.memref_slice %arg4[%add3A_120, %dma_start3A_121] : memref<16384x64xf32, #tpu.memory_space<hbm>> -> memref<1x64xf32, #tpu.memory_space<hbm>>
      %dma_start3A_123 = arith.constant 0 : i32
      %dma_start3A_124 = tpu.memref_slice %arg2[%squeeze3A_117, %dma_start3A_123] : memref<1000001x64xf32, #tpu.memory_space<hbm>> -> memref<1x64xf32, #tpu.memory_space<hbm>>
      tpu.enqueue_dma source(%dma_start3A_124 : memref<1x64xf32, #tpu.memory_space<hbm>>) target(%dma_start3A_122 : memref<1x64xf32, #tpu.memory_space<hbm>>) target_semaphore(%arg6 : memref<!tpu.dma_semaphore, #tpu.memory_space<semaphore_mem>>)
      %slice3A_125 = vector.extract_strided_slice %get3A_46 {offsets = [9], sizes = [1], strides = [1]} : vector<16xi32> to vector<1xi32>
      %squeeze3A_126 = vector.extract %slice3A_125[0] : i32 from vector<1xi32>
      %add3A_127 = arith.addi %mul3A_2, %mul3A_44 : i32
      %add3A_128 = arith.constant 9 : i32
      %add3A_129 = arith.addi %add3A_127, %add3A_128 : i32
      %dma_start3A_130 = arith.constant 0 : i32
      %dma_start3A_131 = tpu.memref_slice %arg4[%add3A_129, %dma_start3A_130] : memref<16384x64xf32, #tpu.memory_space<hbm>> -> memref<1x64xf32, #tpu.memory_space<hbm>>
      %dma_start3A_132 = arith.constant 0 : i32
      %dma_start3A_133 = tpu.memref_slice %arg2[%squeeze3A_126, %dma_start3A_132] : memref<1000001x64xf32, #tpu.memory_space<hbm>> -> memref<1x64xf32, #tpu.memory_space<hbm>>
      tpu.enqueue_dma source(%dma_start3A_133 : memref<1x64xf32, #tpu.memory_space<hbm>>) target(%dma_start3A_131 : memref<1x64xf32, #tpu.memory_space<hbm>>) target_semaphore(%arg7 : memref<!tpu.dma_semaphore, #tpu.memory_space<semaphore_mem>>)
      %slice3A_134 = vector.extract_strided_slice %get3A_46 {offsets = [10], sizes = [1], strides = [1]} : vector<16xi32> to vector<1xi32>
      %squeeze3A_135 = vector.extract %slice3A_134[0] : i32 from vector<1xi32>
      %add3A_136 = arith.addi %mul3A_2, %mul3A_44 : i32
      %add3A_137 = arith.constant 10 : i32
      %add3A_138 = arith.addi %add3A_136, %add3A_137 : i32
      %dma_start3A_139 = arith.constant 0 : i32
      %dma_start3A_140 = tpu.memref_slice %arg4[%add3A_138, %dma_start3A_139] : memref<16384x64xf32, #tpu.memory_space<hbm>> -> memref<1x64xf32, #tpu.memory_space<hbm>>
      %dma_start3A_141 = arith.constant 0 : i32
      %dma_start3A_142 = tpu.memref_slice %arg2[%squeeze3A_135, %dma_start3A_141] : memref<1000001x64xf32, #tpu.memory_space<hbm>> -> memref<1x64xf32, #tpu.memory_space<hbm>>
      tpu.enqueue_dma source(%dma_start3A_142 : memref<1x64xf32, #tpu.memory_space<hbm>>) target(%dma_start3A_140 : memref<1x64xf32, #tpu.memory_space<hbm>>) target_semaphore(%arg8 : memref<!tpu.dma_semaphore, #tpu.memory_space<semaphore_mem>>)
      %slice3A_143 = vector.extract_strided_slice %get3A_46 {offsets = [11], sizes = [1], strides = [1]} : vector<16xi32> to vector<1xi32>
      %squeeze3A_144 = vector.extract %slice3A_143[0] : i32 from vector<1xi32>
      %add3A_145 = arith.addi %mul3A_2, %mul3A_44 : i32
      %add3A_146 = arith.constant 11 : i32
      %add3A_147 = arith.addi %add3A_145, %add3A_146 : i32
      %dma_start3A_148 = arith.constant 0 : i32
      %dma_start3A_149 = tpu.memref_slice %arg4[%add3A_147, %dma_start3A_148] : memref<16384x64xf32, #tpu.memory_space<hbm>> -> memref<1x64xf32, #tpu.memory_space<hbm>>
      %dma_start3A_150 = arith.constant 0 : i32
      %dma_start3A_151 = tpu.memref_slice %arg2[%squeeze3A_144, %dma_start3A_150] : memref<1000001x64xf32, #tpu.memory_space<hbm>> -> memref<1x64xf32, #tpu.memory_space<hbm>>
      tpu.enqueue_dma source(%dma_start3A_151 : memref<1x64xf32, #tpu.memory_space<hbm>>) target(%dma_start3A_149 : memref<1x64xf32, #tpu.memory_space<hbm>>) target_semaphore(%arg9 : memref<!tpu.dma_semaphore, #tpu.memory_space<semaphore_mem>>)
      %slice3A_152 = vector.extract_strided_slice %get3A_46 {offsets = [12], sizes = [1], strides = [1]} : vector<16xi32> to vector<1xi32>
      %squeeze3A_153 = vector.extract %slice3A_152[0] : i32 from vector<1xi32>
      %add3A_154 = arith.addi %mul3A_2, %mul3A_44 : i32
      %add3A_155 = arith.constant 12 : i32
      %add3A_156 = arith.addi %add3A_154, %add3A_155 : i32
      %dma_start3A_157 = arith.constant 0 : i32
      %dma_start3A_158 = tpu.memref_slice %arg4[%add3A_156, %dma_start3A_157] : memref<16384x64xf32, #tpu.memory_space<hbm>> -> memref<1x64xf32, #tpu.memory_space<hbm>>
      %dma_start3A_159 = arith.constant 0 : i32
      %dma_start3A_160 = tpu.memref_slice %arg2[%squeeze3A_153, %dma_start3A_159] : memref<1000001x64xf32, #tpu.memory_space<hbm>> -> memref<1x64xf32, #tpu.memory_space<hbm>>
      tpu.enqueue_dma source(%dma_start3A_160 : memref<1x64xf32, #tpu.memory_space<hbm>>) target(%dma_start3A_158 : memref<1x64xf32, #tpu.memory_space<hbm>>) target_semaphore(%arg6 : memref<!tpu.dma_semaphore, #tpu.memory_space<semaphore_mem>>)
      %slice3A_161 = vector.extract_strided_slice %get3A_46 {offsets = [13], sizes = [1], strides = [1]} : vector<16xi32> to vector<1xi32>
      %squeeze3A_162 = vector.extract %slice3A_161[0] : i32 from vector<1xi32>
      %add3A_163 = arith.addi %mul3A_2, %mul3A_44 : i32
      %add3A_164 = arith.constant 13 : i32
      %add3A_165 = arith.addi %add3A_163, %add3A_164 : i32
      %dma_start3A_166 = arith.constant 0 : i32
      %dma_start3A_167 = tpu.memref_slice %arg4[%add3A_165, %dma_start3A_166] : memref<16384x64xf32, #tpu.memory_space<hbm>> -> memref<1x64xf32, #tpu.memory_space<hbm>>
      %dma_start3A_168 = arith.constant 0 : i32
      %dma_start3A_169 = tpu.memref_slice %arg2[%squeeze3A_162, %dma_start3A_168] : memref<1000001x64xf32, #tpu.memory_space<hbm>> -> memref<1x64xf32, #tpu.memory_space<hbm>>
      tpu.enqueue_dma source(%dma_start3A_169 : memref<1x64xf32, #tpu.memory_space<hbm>>) target(%dma_start3A_167 : memref<1x64xf32, #tpu.memory_space<hbm>>) target_semaphore(%arg7 : memref<!tpu.dma_semaphore, #tpu.memory_space<semaphore_mem>>)
      %slice3A_170 = vector.extract_strided_slice %get3A_46 {offsets = [14], sizes = [1], strides = [1]} : vector<16xi32> to vector<1xi32>
      %squeeze3A_171 = vector.extract %slice3A_170[0] : i32 from vector<1xi32>
      %add3A_172 = arith.addi %mul3A_2, %mul3A_44 : i32
      %add3A_173 = arith.constant 14 : i32
      %add3A_174 = arith.addi %add3A_172, %add3A_173 : i32
      %dma_start3A_175 = arith.constant 0 : i32
      %dma_start3A_176 = tpu.memref_slice %arg4[%add3A_174, %dma_start3A_175] : memref<16384x64xf32, #tpu.memory_space<hbm>> -> memref<1x64xf32, #tpu.memory_space<hbm>>
      %dma_start3A_177 = arith.constant 0 : i32
      %dma_start3A_178 = tpu.memref_slice %arg2[%squeeze3A_171, %dma_start3A_177] : memref<1000001x64xf32, #tpu.memory_space<hbm>> -> memref<1x64xf32, #tpu.memory_space<hbm>>
      tpu.enqueue_dma source(%dma_start3A_178 : memref<1x64xf32, #tpu.memory_space<hbm>>) target(%dma_start3A_176 : memref<1x64xf32, #tpu.memory_space<hbm>>) target_semaphore(%arg8 : memref<!tpu.dma_semaphore, #tpu.memory_space<semaphore_mem>>)
      %slice3A_179 = vector.extract_strided_slice %get3A_46 {offsets = [15], sizes = [1], strides = [1]} : vector<16xi32> to vector<1xi32>
      %squeeze3A_180 = vector.extract %slice3A_179[0] : i32 from vector<1xi32>
      %add3A_181 = arith.addi %mul3A_2, %mul3A_44 : i32
      %add3A_182 = arith.constant 15 : i32
      %add3A_183 = arith.addi %add3A_181, %add3A_182 : i32
      %dma_start3A_184 = arith.constant 0 : i32
      %dma_start3A_185 = tpu.memref_slice %arg4[%add3A_183, %dma_start3A_184] : memref<16384x64xf32, #tpu.memory_space<hbm>> -> memref<1x64xf32, #tpu.memory_space<hbm>>
      %dma_start3A_186 = arith.constant 0 : i32
      %dma_start3A_187 = tpu.memref_slice %arg2[%squeeze3A_180, %dma_start3A_186] : memref<1000001x64xf32, #tpu.memory_space<hbm>> -> memref<1x64xf32, #tpu.memory_space<hbm>>
      tpu.enqueue_dma source(%dma_start3A_187 : memref<1x64xf32, #tpu.memory_space<hbm>>) target(%dma_start3A_185 : memref<1x64xf32, #tpu.memory_space<hbm>>) target_semaphore(%arg9 : memref<!tpu.dma_semaphore, #tpu.memory_space<semaphore_mem>>)
    }
    %scan3A_6 = arith.constant 32 : i32
    %add3A_7 = arith.constant 0 : i32
    %add3A_8 = arith.addi %mul3A_2, %add3A_7 : i32
    %add3A_9 = arith.constant 0 : i32
    %add3A_10 = arith.addi %mul3A_2, %add3A_9 : i32
    %dma_wait3A = arith.constant 0 : i32
    %dma_wait3A_11 = tpu.memref_slice %arg4[%add3A_10, %dma_wait3A] : memref<16384x64xf32, #tpu.memory_space<hbm>> -> memref<128x64xf32, #tpu.memory_space<hbm>>
    %dma_wait3A_12 = arith.constant 0 : i32
    %dma_wait3A_13 = tpu.memref_slice %arg4[%add3A_8, %dma_wait3A_12] : memref<16384x64xf32, #tpu.memory_space<hbm>> -> memref<128x64xf32, #tpu.memory_space<hbm>>
    tpu.wait_dma2 semaphore(%arg6 : memref<!tpu.dma_semaphore, #tpu.memory_space<semaphore_mem>>) src(%dma_wait3A_13 : memref<128x64xf32, #tpu.memory_space<hbm>>) dst(%dma_wait3A_11 : memref<128x64xf32, #tpu.memory_space<hbm>>)
    %add3A_14 = arith.constant 128 : i32
    %add3A_15 = arith.addi %mul3A_2, %add3A_14 : i32
    %add3A_16 = arith.constant 128 : i32
    %add3A_17 = arith.addi %mul3A_2, %add3A_16 : i32
    %dma_wait3A_18 = arith.constant 0 : i32
    %dma_wait3A_19 = tpu.memref_slice %arg4[%add3A_17, %dma_wait3A_18] : memref<16384x64xf32, #tpu.memory_space<hbm>> -> memref<128x64xf32, #tpu.memory_space<hbm>>
    %dma_wait3A_20 = arith.constant 0 : i32
    %dma_wait3A_21 = tpu.memref_slice %arg4[%add3A_15, %dma_wait3A_20] : memref<16384x64xf32, #tpu.memory_space<hbm>> -> memref<128x64xf32, #tpu.memory_space<hbm>>
    tpu.wait_dma2 semaphore(%arg7 : memref<!tpu.dma_semaphore, #tpu.memory_space<semaphore_mem>>) src(%dma_wait3A_21 : memref<128x64xf32, #tpu.memory_space<hbm>>) dst(%dma_wait3A_19 : memref<128x64xf32, #tpu.memory_space<hbm>>)
    %add3A_22 = arith.constant 256 : i32
    %add3A_23 = arith.addi %mul3A_2, %add3A_22 : i32
    %add3A_24 = arith.constant 256 : i32
    %add3A_25 = arith.addi %mul3A_2, %add3A_24 : i32
    %dma_wait3A_26 = arith.constant 0 : i32
    %dma_wait3A_27 = tpu.memref_slice %arg4[%add3A_25, %dma_wait3A_26] : memref<16384x64xf32, #tpu.memory_space<hbm>> -> memref<128x64xf32, #tpu.memory_space<hbm>>
    %dma_wait3A_28 = arith.constant 0 : i32
    %dma_wait3A_29 = tpu.memref_slice %arg4[%add3A_23, %dma_wait3A_28] : memref<16384x64xf32, #tpu.memory_space<hbm>> -> memref<128x64xf32, #tpu.memory_space<hbm>>
    tpu.wait_dma2 semaphore(%arg8 : memref<!tpu.dma_semaphore, #tpu.memory_space<semaphore_mem>>) src(%dma_wait3A_29 : memref<128x64xf32, #tpu.memory_space<hbm>>) dst(%dma_wait3A_27 : memref<128x64xf32, #tpu.memory_space<hbm>>)
    %add3A_30 = arith.constant 384 : i32
    %add3A_31 = arith.addi %mul3A_2, %add3A_30 : i32
    %add3A_32 = arith.constant 384 : i32
    %add3A_33 = arith.addi %mul3A_2, %add3A_32 : i32
    %dma_wait3A_34 = arith.constant 0 : i32
    %dma_wait3A_35 = tpu.memref_slice %arg4[%add3A_33, %dma_wait3A_34] : memref<16384x64xf32, #tpu.memory_space<hbm>> -> memref<128x64xf32, #tpu.memory_space<hbm>>
    %dma_wait3A_36 = arith.constant 0 : i32
    %dma_wait3A_37 = tpu.memref_slice %arg4[%add3A_31, %dma_wait3A_36] : memref<16384x64xf32, #tpu.memory_space<hbm>> -> memref<128x64xf32, #tpu.memory_space<hbm>>
    tpu.wait_dma2 semaphore(%arg9 : memref<!tpu.dma_semaphore, #tpu.memory_space<semaphore_mem>>) src(%dma_wait3A_37 : memref<128x64xf32, #tpu.memory_space<hbm>>) dst(%dma_wait3A_35 : memref<128x64xf32, #tpu.memory_space<hbm>>)
    return
  }
}

</mosaic_0001>

<sc_bundles>
// kernel: kernel.3.cloned.1.call-start
scs
__scs_entry_jumppad:
0x0: {  	(pc) =	sbr.rel $0x88, $3  }
0x1: {  	(tag) =	ssettag $0x0;
	lr =	simm.s32 $0x1  }
0x2: {  	[smem:$0x3F9F] =	sst lr;
	_ =	strace $0xD0000000  }
0x3: {  	_ = 	snop  }
0x4: {  	_ = 	snop  }
0x5: {  	_ = 	snop  }
0x6: {  	_ = 	snop  }
0x7: {  	_ = 	snop  }
__scs_overlays_trampoline_lowered:
0x8: {  	[smem:$0x3FAE] =	sst s0  }
0x9: {  	[smem:$0x3FAF] =	sst s1  }
0xa: {  	[smem:$0x3FB0] =	sst s2  }
0xb: {  	[smem:$0x3FB1] =	sst s3  }
0xc: {  	[smem:$0x3FB2] =	sst s4  }
0xd: {  	[smem:$0x3FB3] =	sst s5  }
0xe: {  	[smem:$0x3FB4] =	sst s6  }
0xf: {  	[smem:$0x3FB5] =	sst s7  }
0x10: {  	[smem:$0x3FB6] =	sst s8  }
0x11: {  	[smem:$0x3FB7] =	sst s9;
	s0 =	simm.s32 @!p0 $0x0  }
0x12: {  	s1 =	sld [smem:$0x3F9D];
	s0 =	simm.s32 @p0 $0x1  }
0x13: {  	[smem:$0x3FB8] =	sst s0;
	s0 =	simm.s32 @!p1 $0x0  }
0x14: {  	s2 =	sld [smem:$0x3F9C];
	s0 =	simm.s32 @p1 $0x1  }
0x15: {  	[smem:$0x3FB9] =	sst s0;
	s0 =	simm.s32 @!p2 $0x0  }
0x16: {  	s3 =	sld [smem:$0x3FDB];
	s0 =	simm.s32 @p2 $0x1  }
0x17: {  	s4 =	simm.s32 $0x1BF5;
	[smem:$0x3FBB] =	sst s0  }
0x18: {  	s0 =	sld [smem:$0x3F9E];
	_ =	swait.ge [sflag:s4], $0x0  }
0x19: {  	s7 =	sld [smem:$0x3F9F]  }
0x1a: {  	s8 =	sadd.s32 $0xFFFFE003, lr  }
0x1b: {  	s9 =	sadd.s32 $0xFFFFFEF7, lr;
	s5 =	simm.s32 $0xFFFFFFFF;
	p2 =	slt.u32 s8, $0xFFFFF086  }
0x1c: {  	p1 =	slt.u32 s9, $0xF7A;
	s5 =	simm.s32 @!p2 $0x0  }
0x1d: {  	s5 =	simm.s32 @p1 $0x1;
	p0 =	seq.s32 s7, s2  }
0x1e: {  	s7 =	smul.u32 @!p0 $0xF7A, s2;
	p2 =	seq.s32 @!p0 s5, $0x0  }
0x1f: {  	s9 =	smul.u32 $0xF7A, s1;
	s8 =	simm.s32 @!p0 $0x1BF5;
	p2 =	por !p2, p0  }
0x20: {  	[sflag:s8] =	ssyncset.s32 @!p0 $0xFFFFF086;
	s6 =	sadd.s32 @!p0 s3, s7;
	s7 =	simm.s32 @!p0 $0x108  }
0x21: {  	s3 =	sadd.s32 s3, s9;
	s6 =	sadd.s32 @!p0 $0x88, s6;
	s7 =	simm.s32 @p2 $0x1082  }
0x22: {  	[simem:s7], [sflag:s8] =	dma.local @!p0 [hbm:s6], $0xF7A  }
0x23: {  	s9 =	sor.u32 $0xD0000000, s2;
	s6 =	simm.s32 $0x108;
	_ =	swait.ge @!p0 [sflag:s8], $0x0  }
0x24: {  	s3 =	sadd.s32 $0x88, s3;
	s6 =	simm.s32 @!p1 $0x1082;
	[sflag:s4] =	ssyncset.s32 $0xFFFFF086  }
0x25: {  	[simem:s6], [sflag:s4] =	dma.local [hbm:s3], $0xF7A  }
0x26: {  	[smem:$0x3F9F] =	sst s1;
	(tag) =	ssettag s2;
	_ =	strace s9  }
0x27: {  	s1 =	sld [smem:$0x3FAF]  }
0x28: {  	s2 =	sld [smem:$0x3FB0]  }
0x29: {  	s4 =	sld [smem:$0x3FB2]  }
0x2a: {  	p0 =	seq.s32 s5, $0x0;
	s5 =	sld [smem:$0x3FB3]  }
0x2b: {  	s6 =	sld [smem:$0x3FB4]  }
0x2c: {  	s7 =	sld [smem:$0x3FB5]  }
0x2d: {  	s3 =	simm.s32 $0x108;
	s8 =	sld [smem:$0x3FB6]  }
0x2e: {  	s3 =	simm.s32 @!p0 $0x1082;
	s9 =	sld [smem:$0x3FB7]  }
0x2f: {  	lr =	sadd.s32 s0, s3;
	s0 =	sld [smem:$0x3FAE]  }
0x30: {  	s3 =	sld [smem:$0x3FB1]  }
0x31: {  	[smem:$0x3FBA] =	sst s10  }
0x32: {  	s10 =	sld [smem:$0x3FB8];
	_ =	sdelay $0x3  }
0x33: {  	p0 =	seq.s32 s10, $0x1;
	s10 =	sld [smem:$0x3FBA];
	_ =	sdelay $0x3  }
0x34: {  	[smem:$0x3FBA] =	sst s10  }
0x35: {  	s10 =	sld [smem:$0x3FB9];
	_ =	sdelay $0x3  }
0x36: {  	p1 =	seq.s32 s10, $0x1;
	s10 =	sld [smem:$0x3FBA];
	_ =	sdelay $0x3  }
0x37: {  	[smem:$0x3FBA] =	sst s10  }
0x38: {  	s10 =	sld [smem:$0x3FBB]  }
0x39: {  	_ = 	snop;
	(pc) =	sbr.ind lr, $3  }
0x3a: {  	_ = 	snop  }
0x3b: {  	_ = 	snop  }
0x3c: {  	p2 =	seq.s32 s10, $0x1;
	s10 =	sld [smem:$0x3FBA]  }
0x3d: {  	_ =	shalt  }
0x3e: {  	_ =	shalt  }
0x3f: {  	_ =	shalt  }
0x40: {  	_ =	shalt  }
0x41: {  	_ =	shalt  }
0x42: {  	_ =	shalt  }
0x43: {  	_ =	shalt  }
0x44: {  	_ =	shalt  }
0x45: {  	_ =	shalt  }
0x46: {  	_ =	shalt  }
0x47: {  	_ =	shalt  }
0x48: {  	_ =	shalt  }
0x49: {  	_ =	shalt  }
0x4a: {  	_ =	shalt  }
0x4b: {  	_ =	shalt  }
0x4c: {  	_ =	shalt  }
0x4d: {  	_ =	shalt  }
0x4e: {  	_ =	shalt  }
0x4f: {  	_ =	shalt  }
0x50: {  	_ =	shalt  }
0x51: {  	_ =	shalt  }
0x52: {  	_ =	shalt  }
0x53: {  	_ =	shalt  }
0x54: {  	_ =	shalt  }
0x55: {  	_ =	shalt  }
0x56: {  	_ =	shalt  }
0x57: {  	_ =	shalt  }
0x58: {  	_ =	shalt  }
0x59: {  	_ =	shalt  }
0x5a: {  	_ =	shalt  }
0x5b: {  	_ =	shalt  }
0x5c: {  	_ =	shalt  }
0x5d: {  	_ =	shalt  }
0x5e: {  	_ =	shalt  }
0x5f: {  	_ =	shalt  }
0x60: {  	_ =	shalt  }
0x61: {  	_ =	shalt  }
0x62: {  	_ =	shalt  }
0x63: {  	_ =	shalt  }
0x64: {  	_ =	shalt  }
0x65: {  	_ =	shalt  }
0x66: {  	_ =	shalt  }
0x67: {  	_ =	shalt  }
0x68: {  	_ =	shalt  }
0x69: {  	_ =	shalt  }
0x6a: {  	_ =	shalt  }
0x6b: {  	_ =	shalt  }
0x6c: {  	_ =	shalt  }
0x6d: {  	_ =	shalt  }
0x6e: {  	_ =	shalt  }
0x6f: {  	_ =	shalt  }
0x70: {  	_ =	shalt  }
0x71: {  	_ =	shalt  }
0x72: {  	_ =	shalt  }
0x73: {  	_ =	shalt  }
0x74: {  	_ =	shalt  }
0x75: {  	_ =	shalt  }
0x76: {  	_ =	shalt  }
0x77: {  	_ =	shalt  }
0x78: {  	_ =	shalt  }
0x79: {  	_ =	shalt  }
0x7a: {  	_ =	shalt  }
0x7b: {  	_ =	shalt  }
0x7c: {  	_ =	shalt  }
0x7d: {  	_ =	shalt  }
0x7e: {  	_ =	shalt  }
0x7f: {  	_ =	shalt  }
0x80: {  	_ =	shalt  }
0x81: {  	_ =	shalt  }
0x82: {  	_ =	shalt  }
0x83: {  	_ =	shalt  }
0x84: {  	_ =	shalt  }
0x85: {  	_ =	shalt  }
0x86: {  	_ =	shalt  }
0x87: {  	_ =	shalt  }
.Lfunc_end0:
.L_simem_size_0:
called_computation_lowered:
.L_overlay_start_0:
0x88: {  	s2 =	sld [smem:$0x3FD9]  }
0x89: {  	s3 =	sld [smem:$0x3FFE];
	_ =	sdelay $0x1  }
0x8a: {  	s1 =	srdreg.scid  }
0x8b: {  	s0 =	sand.u32 $0x1, s1  }
0x8c: {  	s17 =	sshll.u32 s0, $0xA;
	s2 =	sadd.s32 s3, s2  }
0x8d: {  	s2 =	sadd.s32 s2, s17  }
0x8e: {  	[smem:$0x3FC6] =	sst s2  }
0x8f: {  	_ = 	snop  }
0x90: {  	s2 =	sld [smem:$0x3FC9];
	(tm) =	ssettm $0x1  }
0x91: {  	s18 =	sld [smem:$0x3FFB];
	_ =	sdelay $0x3  }
0x92: {  	_ =	strace s18  }
0x93: {  	s3 =	sld [smem:$0x3FFC];
	_ =	sdelay $0x3  }
0x94: {  	_ =	strace s3  }
0x95: {  	s3 =	sld [smem:$0x3FFD];
	_ =	sdelay $0x3  }
0x96: {  	_ =	strace s3  }
0x97: {  	_ =	strace $0x8FFFFFFF  }
0x98: {  	s19 =	sld [smem:$0x3FDB];
	_ =	sdelay $0x1  }
0x99: {  	s4 =	simm.s32 $_scs_section_size  }
0x9a: {  	s5 =	simm.s32 $_size__tile_overlayer_lowered;
	s6 =	simm.s32 $_tile_overlayer_lowered  }
0x9b: {  	s22 =	simm.s32 $0x1BFF;
	s21 =	sshll.u32 s6, $0x1;
	s3 =	sadd.s32 s4, s19  }
0x9c: {  	s7 =	simm.s32 $0x0;
	s20 =	sshll.u32 s5, $0x1;
	s5 =	sadd.s32 s21, s3  }
0x9d: {  	[timem:s7], [sflag:s22] =	dma.local [hbm:s5], s20  }
0x9e: {  	_ =	swait.ge [sflag:s22], s20  }
0x9f: {  	s4 =	ssub.s32 $0x0, s20;
	[sflag:s22] =	ssyncset.done $0x0  }
0xa0: {  	[sflag:s22] =	ssyncadd.s32 s4;
	_ =	sdelay $0x1  }
0xa1: {  	s23 =	simm.s32 $0x1B8B  }
0xa2: {  	_ =	swait.ge [sflag:s23], $0x1  }
0xa3: {  	[sflag:s23] =	ssyncset.done $0x0  }
0xa4: {  	s25 =	simm.s32 $0x1B8E;
	s24 =	sld [smem:$0x3FFE];
	[sflag:s23] =	ssyncadd.s32 $0xFFFFFFFF  }
0xa5: {  	s26 =	simm.s32 $execute0_lowered;
	[smem:$0x3FD2] =	sst s25  }
0xa6: {  	s5 =	sshll.u32 s26, $0x1;
	_ =	strace $0x80000046;
	[dreg:$0x1] =	wrdreg $0xFFFFFFFF  }
0xa7: {  	s28 =	simm.s32 $_size_execute0_lowered;
	s3 =	sadd.s32 s3, s5;
	[dreg:$0x0] =	wrdreg $0x0  }
0xa8: {  	s5 =	sshll.u32 s28, $0x1;
	[dreg:$0x2] =	wrdreg s3  }
0xa9: {  	[dreg:$0x3] =	wrdreg s5  }
0xaa: {  	[dreg:$0x4] =	wrdreg $0xC0  }
0xab: {  	_ =	task [dreg:s7], $0x5FFFF  }
0xac: {  	[dreg:$0x1] =	wrdreg $0xFFFFFFFF  }
0xad: {  	[dreg:$0x0] =	wrdreg $0x60  }
0xae: {  	[dreg:$0x2] =	wrdreg s24  }
0xaf: {  	[dreg:$0x3] =	wrdreg s2  }
0xb0: {  	[dreg:$0x4] =	wrdreg $0x9  }
0xb1: {  	_ =	task.clear_ibuf [dreg:s7], $0x5FFFF;
	_ =	strace $0x90000046  }
0xb2: {  	s29 =	simm.s32 $0x9;
	_ =	strace $0x80000048  }
0xb3: {  	_ =	swait.ge [sflag:s29], $0x1  }
0xb4: {  	[sflag:s29] =	ssyncadd.s32 $0xFFFFFFFF  }
0xb5: {  	_ =	strace $0x90000048  }
0xb6: {  	_ =	sfence  }
0xb7: {  	s30 =	sld [smem:$0x0];
	_ =	sdelay $0x2  }
0xb8: {  	s31 =	sshll.u32 s1, $0xD;
	s1 =	sshrl.u32 s1, $0x2  }
0xb9: {  	s3 =	sand.u32 $0x4000, s31;
	s1 =	sadd.s32 s1, s30  }
0xba: {  	s0 =	sor.u32 s3, s0;
	s1 =	sshll.u32 s1, $0x11  }
0xbb: {  	s0 =	sor.u32 s1, s0  }
0xbc: {  	s0 =	sadd.s32 $0x8F2B, s0  }
0xbd: {  	[sflag:s0] =	ssyncadd.remote.s32 $0x1  }
0xbe: {  	_ =	sfence.sel $0xFFFF  }
0xbf: {  	[dreg:$0x0] =	wrdreg $0xFFFFFFFF;
	(pc) =	sbr.abs _section_cstart, $3  }
0xc0: {  	[dreg:$0x1] =	wrdreg $0xFFFFFFFF  }
0xc1: {  	_ =	task.clear_ibuf [dreg:s7], $0x2FFFF;
	_ =	strace $0x9FFFFFFF  }
0xc2: {  	(tm) =	ssettm $0x7FFFFFFF  }
0xc3: {  	_ =	shalt  }
tec
execute0_lowered:
.L_overlay_start_1:
0x0: {  	(tag) =	ssettag $0x1  }
0x1: {  	s0 =	rddreg [dreg:$0x0]  }
0x2: {  	s1 =	rddreg [dreg:$0x1];
	s2 =	simm.s32 $0x0;
	s8 =	stileid.u32  }
0x3: {  	s4 =	srdreg.scid;
	[smem:$0x7FF] =	sst s2;
	s24 =	sshll.u32 s8, $0xE  }
0x4: {  	s3 =	sadd.s32 $0x400, s0;
	s25 =	sand.u32 $0x1, s4;
	s5 =	sshll.u32 s8, $0xA  }
0x5: {  	s29 =	sshll.u32 s8, $0x6;
	_ =	strace $0x80000047;
	s0 =	sadd.s32 s24, s0  }
0x6: {  	s4 =	ssub.s32 $0x2, s25;
	s6 =	sshll.u32 s25, $0x9;
	s2 =	sshll.u32 s25, $0xD  }
0x7: {  	s30 =	sor.u32 $0x1C01, s29;
	s31 =	sor.u32 $0x1C02, s29;
	s7 =	sshrl.u32 s4, $0x1  }
0x8: {  	s5 =	sor.u32 s6, s5;
	s0 =	sadd.s32 s2, s0;
	[dreg:$0x4] =	wrdreg s30  }
0x9: {  	[dreg:$0x5] =	wrdreg s31;
	s5 =	sshrl.u32 s5, $0x3;
	s0 =	sadd.s32 $0xF42A00, s0  }
0xa: {  	s4 =	ssub.s32 s4, s7;
	s1 =	sadd.s32 s1, s5;
	[dreg:$0x3] =	wrdreg s0  }
0xb: {  	s28 =	sor.u32 $0x1C03, s29;
	s26 =	smax.u32 s4, $0x1;
	[dreg:$0xe] =	wrdreg s1  }
0xc: {  	s25 =	sor.u32 $0x1C04, s29;
	s5 =	simm.s32 $0x0;
	[dreg:$0xf] =	wrdreg s26  }
.LBB2_1:
0xd: {  	[dreg:$0x10] =	wrdreg s5  }
0xe: {  	s0 =	simm.s32 $0x0;
	s1 =	rddreg [dreg:$0xe];
	s30 =	simm.s32 $0x5  }
0xf: {  	[tilespmem:s0], [sflag:$0x5] =	stream.linear.gather [hbm4b:s1+s0], $0x200, $0x38;
	[tilespmem:$0x200] =	vst v63  }
0x10: {  	_ =	swait.ge [sflag:s30], $0x200  }
0x11: {  	[sflag:s30] =	ssyncset.done $0x0  }
0x12: {  	[sflag:s30] =	ssyncadd.s32 $0xFFFFFE00  }
0x13: {  	v0 =	vld [tilespmem:s0+$0x0];
	_ =	sdelay $0x4  }
0x14: {  	v0 =	vshll.u32 v0, $0x4  }
0x15: {  	(v2sf) =	vpush v0, $0x0  }
0x16: {  	(v2sf) =	vpush v0, $0x1  }
0x17: {  	(v2sf) =	vpush v0, $0xB  }
0x18: {  	s31 =	rddreg [dreg:$0x3];
	(v2sf) =	vpush v0, $0x9  }
0x19: {  	s16 =	sadd.s32 $0x0, s31;
	(v2sf) =	vpush v0, $0xC  }
0x1a: {  	s17 =	simm.s32 $0x100;
	s18 =	simm.s32 $0x0;
	s26 =	sadd.s32 $0x10, s16;
	(v2sf) =	vpush v0, $0x4  }
.LBB2_2:
0x1b: {  	_ = 	snop  }
0x1c: {  	(v2sf) =	vpush v0, $0x5  }
0x1d: {  	(v2sf) =	vpush v0, $0x6  }
0x1e: {  	(v2sf) =	vpush v0, $0xD  }
0x1f: {  	(v2sf) =	vpush v0, $0x3  }
0x20: {  	(v2sf) =	vpush v0, $0x7  }
0x21: {  	(v2sf) =	vpush v0, $0x8  }
0x22: {  	s0 =	sadd.s32 $0xC0, s16;
	s10 =	sadd.s32 $0x70, s16;
	s11 =	smov.u32 s17;
	(v2sf) =	vpush v0, $0xE  }
0x23: {  	s12 =	sadd.s32 $0x30, s16;
	s13 =	sadd.s32 $0x40, s16;
	[dreg:$0x7] =	wrdreg s0;
	(v2sf) =	vpush v0, $0x2  }
0x24: {  	s14 =	sadd.s32 $0x20, s16;
	[dreg:$0x9] =	wrdreg s10;
	s20 =	spop (v2sf);
	(v2sf) =	vpush v0, $0xF  }
0x25: {  	s15 =	sadd.s32 $0xF0, s16;
	[dreg:$0x6] =	wrdreg s11;
	s1 =	spop (v2sf);
	(v2sf) =	vpush v0, $0xA  }
0x26: {  	s19 =	sadd.s32 $0xB0, s16;
	s29 =	sadd.s32 $0x80, s16;
	[dreg:$0xc] =	wrdreg s12  }
0x27: {  	s30 =	sadd.s32 $0xA0, s16;
	[dreg:$0xb] =	wrdreg s13;
	s4 =	spop (v2sf)  }
0x28: {  	s31 =	sadd.s32 $0x90, s16;
	[dreg:$0xd] =	wrdreg s14;
	s5 =	spop (v2sf)  }
0x29: {  	s2 =	sadd.s32 $0x60, s16;
	[dreg:$0x8] =	wrdreg s15;
	s22 =	spop (v2sf)  }
0x2a: {  	s23 =	sadd.s32 $0xE0, s16;
	[dreg:$0xa] =	wrdreg s19;
	s12 =	spop (v2sf)  }
0x2b: {  	s0 =	sand.u32 $0x1FFFFFF0, s20;
	s1 =	sand.u32 $0x1FFFFFF0, s1;
	s13 =	spop (v2sf)  }
0x2c: {  	s6 =	sadd.s32 s3, s0;
	s11 =	sadd.s32 s3, s1;
	s14 =	spop (v2sf)  }
0x2d: {  	s21 =	sand.u32 $0x1FFFFFF0, s4;
	s1 =	sadd.s32 $0xD0, s16;
	s15 =	spop (v2sf)  }
0x2e: {  	s21 =	sadd.s32 s3, s21;
	s5 =	sand.u32 $0x1FFFFFF0, s5;
	s7 =	spop (v2sf)  }
0x2f: {  	s4 =	sand.u32 $0x1FFFFFF0, s22;
	s5 =	sadd.s32 s3, s5;
	s19 =	spop (v2sf)  }
0x30: {  	s22 =	sadd.s32 $0x50, s16;
	s12 =	sand.u32 $0x1FFFFFF0, s12;
	s8 =	spop (v2sf)  }
0x31: {  	s4 =	sadd.s32 s3, s4;
	s12 =	sadd.s32 s3, s12;
	s9 =	spop (v2sf)  }
0x32: {  	s13 =	sand.u32 $0x1FFFFFF0, s13;
	s14 =	sand.u32 $0x1FFFFFF0, s14;
	s10 =	spop (v2sf)  }
0x33: {  	s13 =	sadd.s32 s3, s13;
	s14 =	sadd.s32 s3, s14;
	s24 =	spop (v2sf)  }
0x34: {  	s0 =	sand.u32 $0x1FFFFFF0, s24;
	s20 =	spop (v2sf);
	s24 =	rddreg [dreg:$0x4]  }
0x35: {  	[hbm:s16], [sflag:s24] =	dma.local [hbm:s6], $0x10  }
0x36: {  	s7 =	sand.u32 $0x1FFFFFF0, s7;
	s10 =	sand.u32 $0x1FFFFFF0, s10;
	s6 =	rddreg [dreg:$0x5]  }
0x37: {  	[hbm:s26], [sflag:s6] =	dma.local [hbm:s11], $0x10  }
0x38: {  	s7 =	sadd.s32 s3, s7;
	s10 =	sadd.s32 s3, s10;
	s11 =	rddreg [dreg:$0xd]  }
0x39: {  	[hbm:s11], [sflag:s28] =	dma.local [hbm:s10], $0x10  }
0x3a: {  	s19 =	sand.u32 $0x1FFFFFF0, s19;
	s8 =	sand.u32 $0x1FFFFFF0, s8;
	s10 =	rddreg [dreg:$0xc]  }
0x3b: {  	[hbm:s10], [sflag:s25] =	dma.local [hbm:s7], $0x10  }
0x3c: {  	s19 =	sadd.s32 s3, s19;
	s20 =	sand.u32 $0x1FFFFFF0, s20;
	s7 =	rddreg [dreg:$0xb]  }
0x3d: {  	[hbm:s7], [sflag:s24] =	dma.local [hbm:s12], $0x10  }
0x3e: {  	[hbm:s22], [sflag:s6] =	dma.local [hbm:s13], $0x10  }
0x3f: {  	[hbm:s2], [sflag:s28] =	dma.local [hbm:s14], $0x10  }
0x40: {  	s8 =	sadd.s32 s3, s8;
	s20 =	sadd.s32 s3, s20;
	s2 =	rddreg [dreg:$0x9]  }
0x41: {  	[hbm:s2], [sflag:s25] =	dma.local [hbm:s19], $0x10  }
0x42: {  	[hbm:s29], [sflag:s24] =	dma.local [hbm:s8], $0x10  }
0x43: {  	[hbm:s31], [sflag:s6] =	dma.local [hbm:s5], $0x10  }
0x44: {  	[hbm:s30], [sflag:s28] =	dma.local [hbm:s20], $0x10  }
0x45: {  	s15 =	sand.u32 $0x1FFFFFF0, s15;
	s9 =	sand.u32 $0x1FFFFFF0, s9;
	s30 =	rddreg [dreg:$0xa]  }
0x46: {  	[hbm:s30], [sflag:s25] =	dma.local [hbm:s21], $0x10  }
0x47: {  	s15 =	sadd.s32 s3, s15;
	s9 =	sadd.s32 s3, s9;
	s2 =	rddreg [dreg:$0x7]  }
0x48: {  	[hbm:s2], [sflag:s24] =	dma.local [hbm:s4], $0x10  }
0x49: {  	[hbm:s1], [sflag:s6] =	dma.local [hbm:s15], $0x10  }
0x4a: {  	[hbm:s23], [sflag:s28] =	dma.local [hbm:s9], $0x10  }
0x4b: {  	s18 =	sadd.s32 $0x10, s18;
	s0 =	sadd.s32 s3, s0;
	s31 =	rddreg [dreg:$0x8]  }
0x4c: {  	[hbm:s31], [sflag:s25] =	dma.local [hbm:s0], $0x10  }
0x4d: {  	v0 =	vld [tilespmem:s18+$0x0];
	_ =	sdelay $0x4  }
0x4e: {  	v0 =	vshll.u32 v0, $0x4  }
0x4f: {  	p0 =	sne.s32 s17, $0x1F00;
	(v2sf) =	vpush v0, $0x0  }
.Ltmp0:
0x50: {  	(v2sf) =	vpush v0, $0x1;
	(pc) =	sbr.rel @p0 .LBB2_2-.Ltmp0, $4  }
0x51: {  	s0 =	rddreg [dreg:$0x3];
	(v2sf) =	vpush v0, $0xB  }
0x52: {  	s1 =	rddreg [dreg:$0x6];
	(v2sf) =	vpush v0, $0x9  }
0x53: {  	s16 =	sadd.s32 s1, s0;
	(v2sf) =	vpush v0, $0xC  }
0x54: {  	s17 =	sadd.s32 $0x100, s17;
	s26 =	sadd.s32 $0x10, s16;
	(v2sf) =	vpush v0, $0x4  }
0x55: {  	(v2sf) =	vpush v0, $0x5  }
0x56: {  	(v2sf) =	vpush v0, $0x6  }
0x57: {  	(v2sf) =	vpush v0, $0xD  }
0x58: {  	(v2sf) =	vpush v0, $0x3  }
0x59: {  	(v2sf) =	vpush v0, $0x7  }
0x5a: {  	(v2sf) =	vpush v0, $0x8  }
0x5b: {  	(v2sf) =	vpush v0, $0xE  }
0x5c: {  	(v2sf) =	vpush v0, $0x2  }
0x5d: {  	(v2sf) =	vpush v0, $0xF  }
0x5e: {  	s0 =	spop (v2sf);
	(v2sf) =	vpush v0, $0xA  }
0x5f: {  	s1 =	spop (v2sf)  }
0x60: {  	s2 =	spop (v2sf)  }
0x61: {  	s4 =	spop (v2sf)  }
0x62: {  	s5 =	spop (v2sf)  }
0x63: {  	s6 =	spop (v2sf)  }
0x64: {  	s7 =	spop (v2sf)  }
0x65: {  	s8 =	spop (v2sf)  }
0x66: {  	s9 =	spop (v2sf)  }
0x67: {  	s10 =	spop (v2sf)  }
0x68: {  	s11 =	spop (v2sf)  }
0x69: {  	s12 =	spop (v2sf)  }
0x6a: {  	s13 =	spop (v2sf)  }
0x6b: {  	s14 =	spop (v2sf)  }
0x6c: {  	s18 =	rddreg [dreg:$0x4];
	s0 =	sand.u32 $0x1FFFFFF0, s0;
	s15 =	spop (v2sf)  }
0x6d: {  	s0 =	sadd.s32 s3, s0;
	s29 =	sand.u32 $0x1FFFFFF0, s1;
	s17 =	spop (v2sf)  }
0x6e: {  	[hbm:s16], [sflag:s18] =	dma.local [hbm:s0], $0x10  }
0x6f: {  	s30 =	sand.u32 $0x1FFFFFF0, s14;
	s0 =	sadd.s32 s3, s29;
	s19 =	rddreg [dreg:$0x5]  }
0x70: {  	[hbm:s26], [sflag:s19] =	dma.local [hbm:s0], $0x10  }
0x71: {  	s31 =	sadd.s32 $0x20, s16;
	s1 =	sand.u32 $0x1FFFFFF0, s10;
	s0 =	sadd.s32 s3, s30  }
0x72: {  	[hbm:s31], [sflag:s28] =	dma.local [hbm:s0], $0x10  }
0x73: {  	s10 =	sadd.s32 $0x30, s16;
	s14 =	sand.u32 $0x1FFFFFF0, s6;
	s0 =	sadd.s32 s3, s1  }
0x74: {  	[hbm:s10], [sflag:s25] =	dma.local [hbm:s0], $0x10  }
0x75: {  	s20 =	sadd.s32 $0x40, s16;
	s21 =	sand.u32 $0x1FFFFFF0, s7;
	s0 =	sadd.s32 s3, s14  }
0x76: {  	[hbm:s20], [sflag:s18] =	dma.local [hbm:s0], $0x10  }
0x77: {  	s22 =	sadd.s32 $0x50, s16;
	s23 =	sand.u32 $0x1FFFFFF0, s8;
	s0 =	sadd.s32 s3, s21  }
0x78: {  	[hbm:s22], [sflag:s19] =	dma.local [hbm:s0], $0x10  }
0x79: {  	s24 =	sadd.s32 $0x60, s16;
	s26 =	sand.u32 $0x1FFFFFF0, s11;
	s0 =	sadd.s32 s3, s23  }
0x7a: {  	[hbm:s24], [sflag:s28] =	dma.local [hbm:s0], $0x10  }
0x7b: {  	s29 =	sadd.s32 $0x70, s16;
	s30 =	sand.u32 $0x1FFFFFF0, s12;
	s0 =	sadd.s32 s3, s26  }
0x7c: {  	[hbm:s29], [sflag:s25] =	dma.local [hbm:s0], $0x10  }
0x7d: {  	s4 =	sand.u32 $0x1FFFFFF0, s4;
	s31 =	sadd.s32 $0x80, s16;
	s0 =	sadd.s32 s3, s30  }
0x7e: {  	[hbm:s31], [sflag:s18] =	dma.local [hbm:s0], $0x10  }
0x7f: {  	s6 =	sadd.s32 $0x90, s16;
	s7 =	sand.u32 $0x1FFFFFF0, s17;
	s0 =	sadd.s32 s3, s4  }
0x80: {  	[hbm:s6], [sflag:s19] =	dma.local [hbm:s0], $0x10  }
0x81: {  	s8 =	sadd.s32 $0xA0, s16;
	s10 =	sand.u32 $0x1FFFFFF0, s2;
	s0 =	sadd.s32 s3, s7  }
0x82: {  	[hbm:s8], [sflag:s28] =	dma.local [hbm:s0], $0x10  }
0x83: {  	s11 =	sadd.s32 $0xB0, s16;
	s12 =	sand.u32 $0x1FFFFFF0, s5;
	s0 =	sadd.s32 s3, s10  }
0x84: {  	[hbm:s11], [sflag:s25] =	dma.local [hbm:s0], $0x10  }
0x85: {  	s17 =	sand.u32 $0x1FFFFFF0, s9;
	s14 =	sadd.s32 $0xC0, s16;
	s0 =	sadd.s32 s3, s12  }
0x86: {  	[hbm:s14], [sflag:s18] =	dma.local [hbm:s0], $0x10  }
0x87: {  	s0 =	sadd.s32 s3, s17;
	s18 =	sadd.s32 $0xD0, s16  }
0x88: {  	[hbm:s18], [sflag:s19] =	dma.local [hbm:s0], $0x10  }
0x89: {  	s19 =	sand.u32 $0x1FFFFFF0, s13  }
0x8a: {  	s20 =	sadd.s32 $0xE0, s16;
	s21 =	sand.u32 $0x1FFFFFF0, s15;
	s0 =	sadd.s32 s3, s19  }
0x8b: {  	[hbm:s20], [sflag:s28] =	dma.local [hbm:s0], $0x10  }
0x8c: {  	s22 =	sadd.s32 $0xF0, s16;
	s23 =	simm.s32 $0x1;
	s0 =	sadd.s32 s3, s21  }
0x8d: {  	[hbm:s22], [sflag:s25] =	dma.local [hbm:s0], $0x10  }
0x8e: {  	_ =	swait.ge [sflag:s23], $0x800  }
0x8f: {  	[sflag:s23] =	ssyncset.done $0x0  }
0x90: {  	s24 =	simm.s32 $0x2;
	[sflag:s23] =	ssyncadd.s32 $0xFFFFF800  }
0x91: {  	_ =	swait.ge [sflag:s24], $0x800  }
0x92: {  	[sflag:s24] =	ssyncset.done $0x0  }
0x93: {  	s26 =	simm.s32 $0x3;
	[sflag:s24] =	ssyncadd.s32 $0xFFFFF800  }
0x94: {  	_ =	swait.ge [sflag:s26], $0x800  }
0x95: {  	[sflag:s26] =	ssyncset.done $0x0  }
0x96: {  	s29 =	simm.s32 $0x4;
	[sflag:s26] =	ssyncadd.s32 $0xFFFFF800  }
0x97: {  	_ =	swait.ge [sflag:s29], $0x800  }
0x98: {  	s30 =	rddreg [dreg:$0x10]  }
0x99: {  	s31 =	rddreg [dreg:$0xf];
	s5 =	sadd.s32 $0x1, s30  }
0x9a: {  	p0 =	sne.s32 s5, s31  }
.Ltmp1:
0x9b: {  	_ = 	snop;
	(pc) =	sbr.rel @p0 .LBB2_1-.Ltmp1, $3  }
0x9c: {  	_ =	sdelay $0x1  }
0x9d: {  	[sflag:s29] =	ssyncset.done $0x0  }
0x9e: {  	[sflag:s29] =	ssyncadd.s32 $0xFFFFF800  }
0x9f: {  	_ =	sfence.sel $0x180000  }
0xa0: {  	[bflag:$0x0] =	sbarrier.arrive $0xFFFF  }
0xa1: {  	_ =	strace $0x90000047  }
0xa2: {  	s0 =	stileid.u32;
	[bflag:$0x2] =	sbarrier.arrive $0xFFFF  }
0xa3: {  	p0 =	sne.s32 s0, $0x0;
	s0 =	rddreg [dreg:$0x2]  }
0xa4: {  	s0 =	sadd.s32 @!p0 $0x100000, s0  }
0xa5: {  	[sflag:s0] =	ssyncadd.tile.s32 @!p0 $0x1;
	_ =	shalt  }
.Lfunc_end2:
_tile_overlayer_lowered:
.L_overlay_start_2:
0xa6: {  	(tag) =	ssettag $0x2  }
0xa7: {  	s0 =	rddreg [dreg:$0x0];
	s2 =	stileid.u32  }
0xa8: {  	s1 =	rddreg [dreg:$0x1];
	p0 =	sne.s32 s2, $0x0  }
0xa9: {  	s3 =	rddreg [dreg:$0x2];
	[bflag:$0x3] =	sbarrier.arrive $0xFFFF;
	s2 =	simm.s32 @!p0 $0x1C05  }
0xaa: {  	[timem:s3], [sflag:s2] =	dma.local @!p0 [hbm:s0], s1  }
0xab: {  	s0 =	simm.s32 @!p0 $0x5  }
0xac: {  	_ =	swait.ge @!p0 [sflag:s0], s1  }
0xad: {  	s1 =	ssub.s32 @!p0 $0x0, s1;
	[sflag:s0] =	ssyncset.done @!p0 $0x0  }
0xae: {  	[sflag:s0] =	ssyncadd.s32 @!p0 s1  }
0xaf: {  	[bflag:$0x3] =	sbarrier.arrive $0xFFFF  }
0xb0: {  	_ =	shalt  }

</sc_bundles>
